<compile_context>
chip_gen: v7x
topology: tpu7x:2x2x1
jax: 0.10.2.dev20260603
libtpu: 0.0.44.dev20260713+nightly
codegen_flags: <defaults>
</compile_context>

<pallas_src>
import jax
import jax.numpy as jnp
from jax.experimental import pallas as pl
from jax.experimental.pallas import tpu as pltpu
from jax.experimental.pallas import tpu_sc as plsc

_SEP = 102
_N = 32768
_D = 2048
_BLK = 1024
_SUBCORES = 16
_PER_SUB = _N // _SUBCORES
_LANES = 16


def _sc_scan(x):
    xr = x.reshape(_SUBCORES, _PER_SUB)

    @pl.kernel(
        out_type=jax.ShapeDtypeStruct((_SUBCORES, _LANES), jnp.int32),
        mesh=plsc.VectorSubcoreMesh(
            core_axis_name="c", subcore_axis_name="s", num_cores=1
        ),
        scratch_types=[
            pltpu.VMEM((_PER_SUB,), jnp.int32),
            pltpu.VMEM((_LANES,), jnp.int32),
        ],
    )
    def scan_kernel(x_hbm, o_hbm, xv, accv):
        k = jax.lax.axis_index("s")
        pltpu.sync_copy(x_hbm.at[k], xv)
        lane = jax.lax.iota(jnp.int32, _LANES)
        base = k * _PER_SUB

        def body(i, acc):
            v = xv[pl.ds(i * _LANES, _LANES)]
            pos = base + i * _LANES + lane
            return jnp.minimum(acc, jnp.where(v == _SEP, pos, _N))

        accv[...] = jax.lax.fori_loop(
            0, _PER_SUB // _LANES, body, jnp.full((_LANES,), _N, jnp.int32)
        )
        pltpu.sync_copy(accv, o_hbm.at[k])

    return scan_kernel(xr)


def _write_body(part_ref, tab_ref, out_ref, t_ref):
    i = pl.program_id(0)

    @pl.when(i == 0)
    def _():
        t_ref[0] = jnp.min(part_ref[...])

    t = t_ref[0]
    row = i * _BLK + jax.lax.broadcasted_iota(jnp.int32, (_BLK, _D), 0)
    t0 = jnp.broadcast_to(tab_ref[0:1, :], (_BLK, _D))
    t1 = jnp.broadcast_to(tab_ref[1:2, :], (_BLK, _D))
    out_ref[...] = jnp.where(row >= t, t1, t0)


def kernel(x, table):
    partials = _sc_scan(x)
    out = pl.pallas_call(
        _write_body,
        grid=(_N // _BLK,),
        in_specs=[
            pl.BlockSpec(partials.shape, lambda i: (0, 0)),
            pl.BlockSpec(table.shape, lambda i: (0, 0)),
        ],
        out_specs=pl.BlockSpec((_BLK, _D), lambda i: (i, 0)),
        out_shape=jax.ShapeDtypeStruct((_N, _D), table.dtype),
        scratch_shapes=[pltpu.SMEM((1,), jnp.int32)],
    )(partials, table)
    return out.reshape(x.shape + (table.shape[1],))

# --- scband reference (transcript-rebuilt; emitter-appended) ---
"""Pipeline reference for scband-segmentation-embedding-35459249996645 (READ-ONLY COPY).

The authoritative reference and input builder live on the scoring server;
editing this copy changes nothing except your own understanding.
"""

import jax, jax.numpy as jnp
import numpy as np

SEP_TOKEN_ID = 102
VOCAB = 2
DIM = 2048
BATCH = 4
SEQ = 8192

def setup_inputs(seed: int = 0) -> dict:
    key = jax.random.key(seed)
    k1, k2 = jax.random.split(key)
    # input_ids: values in [0, 200) so SEP (102) occurs with ~0.5% frequency
    x = jax.random.randint(k1, (BATCH, SEQ), 0, 200, dtype=jnp.int32)
    # segment embedding table (learned parameter): [sentence_vocab_size, model_dimension]
    table = jax.random.normal(k2, (VOCAB, DIM), dtype=jnp.float32) * 0.02
    return {"x": x, "table": table}

def _create_segmentation_mask(x):
    # Faithful to the torch code: the `next` flag is set when a SEP token is
    # encountered and is NEVER reset -- not even between rows (it is a single
    # Python variable shared across the j-loop). In row-major flattened order,
    # every position at or after the first SEP token gets segment id 1.
    flat = x.reshape(-1)
    seen = jnp.cumsum((flat == SEP_TOKEN_ID).astype(jnp.int32)) > 0
    return seen.astype(jnp.int32).reshape(x.shape)

def reference(x, table):
    mask = _create_segmentation_mask(x)
    # embedding lookup: gather rows of the segment table
    return jnp.take(table, mask, axis=0)

if __name__ == "__main__":
    import jax
    _d = setup_inputs()
    print(jax.jit(kernel)(*tuple(_d.values())))

</pallas_src>

<mosaic_0001>
#map = affine_map<(d0, d1) -> (0, 0)>
module attributes {stable_mosaic.version = 14 : i64} {
  func.func @scan_kernel(%arg0: i32, %arg1: i32, %arg2: memref<16x2048xi32, #tpu.memory_space<hbm>>, %arg3: memref<16x16xi32, #tpu.memory_space<hbm>>, %arg4: memref<2048xi32, #tpu.memory_space<vmem>>, %arg5: memref<16xi32, #tpu.memory_space<vmem>>) attributes {dimension_semantics = [#tpu.dimension_semantics<core_parallel>, #tpu.dimension_semantics<subcore_parallel>], iteration_bounds = array<i64: 1, 16>, scalar_prefetch = 0 : i64, scratch_operands = 2 : i64, tpu.core_type = #tpu.core_type<sc_vector_subcore>, window_params = [{transform_indices = #map}, {transform_indices = #map}]} {
    "tpu.region"() ({
      %run_scoped3A = tpu.sem_alloc : memref<!tpu.dma_semaphore, #tpu.memory_space<semaphore_mem>>
      %dma_start3A = arith.constant 0 : i32
      %dma_start3A_10 = tpu.memref_slice %arg2[%arg1, %dma_start3A] : memref<16x2048xi32, #tpu.memory_space<hbm>> -> memref<1x2048xi32, #tpu.memory_space<hbm>>
      %dma_start3A_11 = tpu.memref_squeeze %dma_start3A_10 : memref<1x2048xi32, #tpu.memory_space<hbm>> -> memref<2048xi32, #tpu.memory_space<hbm>>
      %dma_start3A_12 = arith.constant 0 : i32
      %dma_start3A_13 = tpu.memref_slice %arg2[%arg1, %dma_start3A_12] : memref<16x2048xi32, #tpu.memory_space<hbm>> -> memref<1x2048xi32, #tpu.memory_space<hbm>>
      %dma_start3A_14 = tpu.memref_squeeze %dma_start3A_13 : memref<1x2048xi32, #tpu.memory_space<hbm>> -> memref<2048xi32, #tpu.memory_space<hbm>>
      tpu.enqueue_dma source(%dma_start3A_14 : memref<2048xi32, #tpu.memory_space<hbm>>) target(%arg4 : memref<2048xi32, #tpu.memory_space<vmem>>) target_semaphore(%run_scoped3A : memref<!tpu.dma_semaphore, #tpu.memory_space<semaphore_mem>>)
      %dma_wait3A = arith.constant 0 : i32
      %dma_wait3A_15 = tpu.memref_slice %arg2[%arg1, %dma_wait3A] : memref<16x2048xi32, #tpu.memory_space<hbm>> -> memref<1x2048xi32, #tpu.memory_space<hbm>>
      %dma_wait3A_16 = tpu.memref_squeeze %dma_wait3A_15 : memref<1x2048xi32, #tpu.memory_space<hbm>> -> memref<2048xi32, #tpu.memory_space<hbm>>
      %dma_wait3A_17 = arith.constant 0 : i32
      %dma_wait3A_18 = tpu.memref_slice %arg2[%arg1, %dma_wait3A_17] : memref<16x2048xi32, #tpu.memory_space<hbm>> -> memref<1x2048xi32, #tpu.memory_space<hbm>>
      %dma_wait3A_19 = tpu.memref_squeeze %dma_wait3A_18 : memref<1x2048xi32, #tpu.memory_space<hbm>> -> memref<2048xi32, #tpu.memory_space<hbm>>
      tpu.wait_dma2 semaphore(%run_scoped3A : memref<!tpu.dma_semaphore, #tpu.memory_space<semaphore_mem>>) src(%dma_wait3A_19 : memref<2048xi32, #tpu.memory_space<hbm>>) dst(%arg4 : memref<2048xi32, #tpu.memory_space<vmem>>)
      tpu.yield
    }) : () -> ()
    %iota3A = tpu.iota {dimensions = array<i32: 0>} : vector<16xi32>
    %mul3A = arith.constant 2048 : i32
    %mul3A_0 = arith.muli %arg1, %mul3A : i32
    %broadcast_in_dim3A = arith.constant 32768 : i32
    %broadcast_in_dim3A_1 = vector.broadcast %broadcast_in_dim3A : i32 to vector<16xi32>
    %scan3A = arith.constant 0 : i32
    %scan3A_2 = arith.constant 128 : i32
    %scan3A_3 = arith.addi %scan3A, %scan3A_2 : i32
    %scan3A_4 = arith.constant 1 : i32
    %scan3A_5 = scf.for %scan3A_10 = %scan3A to %scan3A_3 step %scan3A_4 iter_args(%scan3A_11 = %broadcast_in_dim3A_1) -> (vector<16xi32>)  : i32 {
      %mul3A_12 = arith.constant 16 : i32
      %mul3A_13 = arith.muli %scan3A_10, %mul3A_12 : i32
      %get3A = arith.index_cast %mul3A_13 : i32 to index
      %get3A_14 = tpu.vector_load %arg4[%get3A] {strides = array<i32>} : memref<2048xi32, #tpu.memory_space<vmem>>, vector<16xi32>,
      %get3A_15 = vector.shape_cast %get3A_14 : vector<16xi32> to vector<16xi32>
      %mul3A_16 = arith.constant 16 : i32
      %mul3A_17 = arith.muli %scan3A_10, %mul3A_16 : i32
      %add3A = arith.addi %mul3A_0, %mul3A_17 : i32
      %add3A_18 = vector.broadcast %add3A : i32 to vector<16xi32>
      %add3A_19 = arith.addi %add3A_18, %iota3A : vector<16xi32>
      %eq3A = arith.constant 102 : i32
      %eq3A_20 = vector.broadcast %eq3A : i32 to vector<16xi32>
      %eq3A_21 = arith.cmpi eq, %get3A_15, %eq3A_20 : vector<16xi32>
      %jit3A = arith.constant 32768 : i32
      %broadcast_in_dim3A_22 = vector.broadcast %jit3A : i32 to vector<16xi32>
      %select_n3A = arith.select %eq3A_21, %add3A_19, %broadcast_in_dim3A_22 : vector<16xi1>, vector<16xi32>
      %min3A = arith.minsi %scan3A_11, %select_n3A : vector<16xi32>
      scf.yield %min3A : vector<16xi32>
    }
    %scan3A_6 = arith.constant 128 : i32
    %swap3A = arith.constant 0 : index
    %swap3A_7 = tpu.vector_load %arg5[%swap3A] {strides = array<i32>} : memref<16xi32, #tpu.memory_space<vmem>>, vector<16xi32>,
    %swap3A_8 = vector.shape_cast %swap3A_7 : vector<16xi32> to vector<16xi32>
    %swap3A_9 = vector.shape_cast %scan3A_5 : vector<16xi32> to vector<16xi32>
    tpu.vector_store %arg5[%swap3A], %swap3A_9 {strides = array<i32>} : memref<16xi32, #tpu.memory_space<vmem>>, vector<16xi32>,
    "tpu.region"() ({
      %run_scoped3A = tpu.sem_alloc : memref<!tpu.dma_semaphore, #tpu.memory_space<semaphore_mem>>
      %dma_start3A = arith.constant 0 : i32
      %dma_start3A_10 = tpu.memref_slice %arg3[%arg1, %dma_start3A] : memref<16x16xi32, #tpu.memory_space<hbm>> -> memref<1x16xi32, #tpu.memory_space<hbm>>
      %dma_start3A_11 = tpu.memref_squeeze %dma_start3A_10 : memref<1x16xi32, #tpu.memory_space<hbm>> -> memref<16xi32, #tpu.memory_space<hbm>>
      %dma_start3A_12 = arith.constant 0 : i32
      %dma_start3A_13 = tpu.memref_slice %arg3[%arg1, %dma_start3A_12] : memref<16x16xi32, #tpu.memory_space<hbm>> -> memref<1x16xi32, #tpu.memory_space<hbm>>
      %dma_start3A_14 = tpu.memref_squeeze %dma_start3A_13 : memref<1x16xi32, #tpu.memory_space<hbm>> -> memref<16xi32, #tpu.memory_space<hbm>>
      tpu.enqueue_dma source(%arg5 : memref<16xi32, #tpu.memory_space<vmem>>) target(%dma_start3A_14 : memref<16xi32, #tpu.memory_space<hbm>>) target_semaphore(%run_scoped3A : memref<!tpu.dma_semaphore, #tpu.memory_space<semaphore_mem>>)
      %dma_wait3A = arith.constant 0 : i32
      %dma_wait3A_15 = tpu.memref_slice %arg3[%arg1, %dma_wait3A] : memref<16x16xi32, #tpu.memory_space<hbm>> -> memref<1x16xi32, #tpu.memory_space<hbm>>
      %dma_wait3A_16 = tpu.memref_squeeze %dma_wait3A_15 : memref<1x16xi32, #tpu.memory_space<hbm>> -> memref<16xi32, #tpu.memory_space<hbm>>
      %dma_wait3A_17 = arith.constant 0 : i32
      %dma_wait3A_18 = tpu.memref_slice %arg3[%arg1, %dma_wait3A_17] : memref<16x16xi32, #tpu.memory_space<hbm>> -> memref<1x16xi32, #tpu.memory_space<hbm>>
      %dma_wait3A_19 = tpu.memref_squeeze %dma_wait3A_18 : memref<1x16xi32, #tpu.memory_space<hbm>> -> memref<16xi32, #tpu.memory_space<hbm>>
      tpu.wait_dma2 semaphore(%run_scoped3A : memref<!tpu.dma_semaphore, #tpu.memory_space<semaphore_mem>>) src(%arg5 : memref<16xi32, #tpu.memory_space<vmem>>) dst(%dma_wait3A_19 : memref<16xi32, #tpu.memory_space<hbm>>)
      tpu.yield
    }) : () -> ()
    return
  }
}

module attributes {stable_mosaic.version = 14 : i64} {
  func.func @_write_body(%arg0: i32, %arg1: memref<16x16xi32, #tpu.memory_space<vmem>>, %arg2: memref<2x2048xf32, #tpu.memory_space<vmem>>, %arg3: memref<1024x2048xf32, #tpu.memory_space<vmem>>, %arg4: memref<1xi32, #tpu.memory_space<smem>>) attributes {dimension_semantics = [#tpu.dimension_semantics<arbitrary>], iteration_bounds = array<i64: 32>, scalar_prefetch = 0 : i64, scratch_operands = 1 : i64, tpu.core_type = #tpu.core_type<tc>, window_params = [{pipeline_mode = #tpu.pipeline_mode<synchronous>, transform_indices = @transform_0, window_bounds = array<i64: 16, 16>}, {pipeline_mode = #tpu.pipeline_mode<synchronous>, transform_indices = @transform_1, window_bounds = array<i64: 2, 2048>}, {transform_indices = @transform_2, window_bounds = array<i64: 1024, 2048>}]} {
    %eq3A = arith.constant 0 : i32
    %eq3A_0 = arith.cmpi eq, %arg0, %eq3A : i32
    %convert_element_type3A = arith.extui %eq3A_0 : i1 to i32
    %cond3A = arith.constant 0 : i32
    %cond3A_1 = arith.cmpi ne, %convert_element_type3A, %cond3A : i32
    scf.if %cond3A_1 {
      %get3A_17 = arith.constant 0 : index
      %get3A_18 = arith.constant 0 : index
      %get3A_19 = vector.load %arg1[%get3A_17, %get3A_18] : memref<16x16xi32, #tpu.memory_space<vmem>>, vector<16x16xi32>
      %reduce_min3A = vector.shape_cast %get3A_19 : vector<16x16xi32> to vector<1x16x16xi32>
      %reduce_min3A_20 = arith.constant dense<2147483647> : vector<1xi32>
      %reduce_min3A_21 = vector.multi_reduction <minsi>, %reduce_min3A, %reduce_min3A_20 [1, 2] : vector<1x16x16xi32> to vector<1xi32>
      %reduce_min3A_22 = vector.shape_cast %reduce_min3A_21 : vector<1xi32> to vector<1x1x1xi32>
      %reduce_min3A_23 = vector.extract %reduce_min3A_22[0, 0, 0] : i32 from vector<1x1x1xi32>
      %swap3A_24 = arith.constant 0 : index
      %swap3A_25 = memref.load %arg4[%swap3A_24] : memref<1xi32, #tpu.memory_space<smem>>
      memref.store %reduce_min3A_23, %arg4[%swap3A_24] : memref<1xi32, #tpu.memory_space<smem>>
    } else {
    }
    %get3A = arith.constant 0 : index
    %get3A_2 = memref.load %arg4[%get3A] : memref<1xi32, #tpu.memory_space<smem>>
    %mul3A = arith.constant 1024 : i32
    %mul3A_3 = arith.muli %arg0, %mul3A : i32
    %iota3A = tpu.iota {dimensions = array<i32: 0>} : vector<1024x2048xi32>
    %add3A = vector.broadcast %mul3A_3 : i32 to vector<1024x2048xi32>
    %add3A_4 = arith.addi %add3A, %iota3A : vector<1024x2048xi32>
    %get3A_5 = arith.constant 0 : index
    %get3A_6 = arith.constant 0 : index
    %get3A_7 = vector.load %arg2[%get3A_5, %get3A_6] : memref<2x2048xf32, #tpu.memory_space<vmem>>, vector<1x2048xf32>
    %broadcast_in_dim3A = vector.shape_cast %get3A_7 : vector<1x2048xf32> to vector<1x2048xf32>
    %broadcast_in_dim3A_8 = vector.broadcast %broadcast_in_dim3A : vector<1x2048xf32> to vector<1024x2048xf32>
    %get3A_9 = arith.constant 1 : index
    %get3A_10 = arith.constant 0 : index
    %get3A_11 = vector.load %arg2[%get3A_9, %get3A_10] : memref<2x2048xf32, #tpu.memory_space<vmem>>, vector<1x2048xf32>
    %broadcast_in_dim3A_12 = vector.shape_cast %get3A_11 : vector<1x2048xf32> to vector<1x2048xf32>
    %broadcast_in_dim3A_13 = vector.broadcast %broadcast_in_dim3A_12 : vector<1x2048xf32> to vector<1024x2048xf32>
    %ge3A = vector.broadcast %get3A_2 : i32 to vector<1024x2048xi32>
    %ge3A_14 = arith.cmpi sge, %add3A_4, %ge3A : vector<1024x2048xi32>
    %select_n3A = arith.select %ge3A_14, %broadcast_in_dim3A_13, %broadcast_in_dim3A_8 : vector<1024x2048xi1>, vector<1024x2048xf32>
    %swap3A = arith.constant 0 : index
    %swap3A_15 = arith.constant 0 : index
    %swap3A_16 = vector.load %arg3[%swap3A, %swap3A_15] : memref<1024x2048xf32, #tpu.memory_space<vmem>>, vector<1024x2048xf32>
    tpu.vector_store %arg3[%swap3A, %swap3A_15], %select_n3A {strides = array<i32>} : memref<1024x2048xf32, #tpu.memory_space<vmem>>, vector<1024x2048xf32>,
    return
  }
  func.func @transform_0(%arg0: i32) -> (i32, i32) {
    %c0_i32 = arith.constant 0 : i32
    %c0_i32_0 = arith.constant 0 : i32
    %c0_i32_1 = arith.constant 0 : i32
    return %c0_i32, %c0_i32_0 : i32, i32
  }
  func.func @transform_1(%arg0: i32) -> (i32, i32) {
    %c0_i32 = arith.constant 0 : i32
    %c0_i32_0 = arith.constant 0 : i32
    %c0_i32_1 = arith.constant 0 : i32
    return %c0_i32, %c0_i32_0 : i32, i32
  }
  func.func @transform_2(%arg0: i32) -> (i32, i32) {
    %c0_i32 = arith.constant 0 : i32
    %c0_i32_0 = arith.constant 0 : i32
    return %arg0, %c0_i32 : i32, i32
  }
}

</mosaic_0001>

<sc_bundles>
// kernel: kernel.4.cloned.1.call-start
scs
__scs_entry_jumppad:
0x0: {  	(pc) =	sbr.rel $0x88, $3  }
0x1: {  	(tag) =	ssettag $0x0;
	lr =	simm.s32 $0x1  }
0x2: {  	[smem:$0x3F9F] =	sst lr;
	_ =	strace $0xD0000000  }
0x3: {  	_ = 	snop  }
0x4: {  	_ = 	snop  }
0x5: {  	_ = 	snop  }
0x6: {  	_ = 	snop  }
0x7: {  	_ = 	snop  }
__scs_overlays_trampoline_lowered:
0x8: {  	[smem:$0x3FAE] =	sst s0  }
0x9: {  	[smem:$0x3FAF] =	sst s1  }
0xa: {  	[smem:$0x3FB0] =	sst s2  }
0xb: {  	[smem:$0x3FB1] =	sst s3  }
0xc: {  	[smem:$0x3FB2] =	sst s4  }
0xd: {  	[smem:$0x3FB3] =	sst s5  }
0xe: {  	[smem:$0x3FB4] =	sst s6  }
0xf: {  	[smem:$0x3FB5] =	sst s7  }
0x10: {  	[smem:$0x3FB6] =	sst s8  }
0x11: {  	[smem:$0x3FB7] =	sst s9;
	s0 =	simm.s32 @!p0 $0x0  }
0x12: {  	s1 =	sld [smem:$0x3F9D];
	s0 =	simm.s32 @p0 $0x1  }
0x13: {  	[smem:$0x3FB8] =	sst s0;
	s0 =	simm.s32 @!p1 $0x0  }
0x14: {  	s2 =	sld [smem:$0x3F9C];
	s0 =	simm.s32 @p1 $0x1  }
0x15: {  	[smem:$0x3FB9] =	sst s0;
	s0 =	simm.s32 @!p2 $0x0  }
0x16: {  	s3 =	sld [smem:$0x3FDB];
	s0 =	simm.s32 @p2 $0x1  }
0x17: {  	s4 =	simm.s32 $0x1BF5;
	[smem:$0x3FBB] =	sst s0  }
0x18: {  	s0 =	sld [smem:$0x3F9E];
	_ =	swait.ge [sflag:s4], $0x0  }
0x19: {  	s7 =	sld [smem:$0x3F9F]  }
0x1a: {  	s8 =	sadd.s32 $0xFFFFE003, lr  }
0x1b: {  	s9 =	sadd.s32 $0xFFFFFEF7, lr;
	s5 =	simm.s32 $0xFFFFFFFF;
	p2 =	slt.u32 s8, $0xFFFFF086  }
0x1c: {  	p1 =	slt.u32 s9, $0xF7A;
	s5 =	simm.s32 @!p2 $0x0  }
0x1d: {  	s5 =	simm.s32 @p1 $0x1;
	p0 =	seq.s32 s7, s2  }
0x1e: {  	s7 =	smul.u32 @!p0 $0xF7A, s2;
	p2 =	seq.s32 @!p0 s5, $0x0  }
0x1f: {  	s9 =	smul.u32 $0xF7A, s1;
	s8 =	simm.s32 @!p0 $0x1BF5;
	p2 =	por !p2, p0  }
0x20: {  	[sflag:s8] =	ssyncset.s32 @!p0 $0xFFFFF086;
	s6 =	sadd.s32 @!p0 s3, s7;
	s7 =	simm.s32 @!p0 $0x108  }
0x21: {  	s3 =	sadd.s32 s3, s9;
	s6 =	sadd.s32 @!p0 $0x88, s6;
	s7 =	simm.s32 @p2 $0x1082  }
0x22: {  	[simem:s7], [sflag:s8] =	dma.local @!p0 [hbm:s6], $0xF7A  }
0x23: {  	s9 =	sor.u32 $0xD0000000, s2;
	s6 =	simm.s32 $0x108;
	_ =	swait.ge @!p0 [sflag:s8], $0x0  }
0x24: {  	s3 =	sadd.s32 $0x88, s3;
	s6 =	simm.s32 @!p1 $0x1082;
	[sflag:s4] =	ssyncset.s32 $0xFFFFF086  }
0x25: {  	[simem:s6], [sflag:s4] =	dma.local [hbm:s3], $0xF7A  }
0x26: {  	[smem:$0x3F9F] =	sst s1;
	(tag) =	ssettag s2;
	_ =	strace s9  }
0x27: {  	s1 =	sld [smem:$0x3FAF]  }
0x28: {  	s2 =	sld [smem:$0x3FB0]  }
0x29: {  	s4 =	sld [smem:$0x3FB2]  }
0x2a: {  	p0 =	seq.s32 s5, $0x0;
	s5 =	sld [smem:$0x3FB3]  }
0x2b: {  	s6 =	sld [smem:$0x3FB4]  }
0x2c: {  	s7 =	sld [smem:$0x3FB5]  }
0x2d: {  	s3 =	simm.s32 $0x108;
	s8 =	sld [smem:$0x3FB6]  }
0x2e: {  	s3 =	simm.s32 @!p0 $0x1082;
	s9 =	sld [smem:$0x3FB7]  }
0x2f: {  	lr =	sadd.s32 s0, s3;
	s0 =	sld [smem:$0x3FAE]  }
0x30: {  	s3 =	sld [smem:$0x3FB1]  }
0x31: {  	[smem:$0x3FBA] =	sst s10  }
0x32: {  	s10 =	sld [smem:$0x3FB8];
	_ =	sdelay $0x3  }
0x33: {  	p0 =	seq.s32 s10, $0x1;
	s10 =	sld [smem:$0x3FBA];
	_ =	sdelay $0x3  }
0x34: {  	[smem:$0x3FBA] =	sst s10  }
0x35: {  	s10 =	sld [smem:$0x3FB9];
	_ =	sdelay $0x3  }
0x36: {  	p1 =	seq.s32 s10, $0x1;
	s10 =	sld [smem:$0x3FBA];
	_ =	sdelay $0x3  }
0x37: {  	[smem:$0x3FBA] =	sst s10  }
0x38: {  	s10 =	sld [smem:$0x3FBB]  }
0x39: {  	_ = 	snop;
	(pc) =	sbr.ind lr, $3  }
0x3a: {  	_ = 	snop  }
0x3b: {  	_ = 	snop  }
0x3c: {  	p2 =	seq.s32 s10, $0x1;
	s10 =	sld [smem:$0x3FBA]  }
0x3d: {  	_ =	shalt  }
0x3e: {  	_ =	shalt  }
0x3f: {  	_ =	shalt  }
0x40: {  	_ =	shalt  }
0x41: {  	_ =	shalt  }
0x42: {  	_ =	shalt  }
0x43: {  	_ =	shalt  }
0x44: {  	_ =	shalt  }
0x45: {  	_ =	shalt  }
0x46: {  	_ =	shalt  }
0x47: {  	_ =	shalt  }
0x48: {  	_ =	shalt  }
0x49: {  	_ =	shalt  }
0x4a: {  	_ =	shalt  }
0x4b: {  	_ =	shalt  }
0x4c: {  	_ =	shalt  }
0x4d: {  	_ =	shalt  }
0x4e: {  	_ =	shalt  }
0x4f: {  	_ =	shalt  }
0x50: {  	_ =	shalt  }
0x51: {  	_ =	shalt  }
0x52: {  	_ =	shalt  }
0x53: {  	_ =	shalt  }
0x54: {  	_ =	shalt  }
0x55: {  	_ =	shalt  }
0x56: {  	_ =	shalt  }
0x57: {  	_ =	shalt  }
0x58: {  	_ =	shalt  }
0x59: {  	_ =	shalt  }
0x5a: {  	_ =	shalt  }
0x5b: {  	_ =	shalt  }
0x5c: {  	_ =	shalt  }
0x5d: {  	_ =	shalt  }
0x5e: {  	_ =	shalt  }
0x5f: {  	_ =	shalt  }
0x60: {  	_ =	shalt  }
0x61: {  	_ =	shalt  }
0x62: {  	_ =	shalt  }
0x63: {  	_ =	shalt  }
0x64: {  	_ =	shalt  }
0x65: {  	_ =	shalt  }
0x66: {  	_ =	shalt  }
0x67: {  	_ =	shalt  }
0x68: {  	_ =	shalt  }
0x69: {  	_ =	shalt  }
0x6a: {  	_ =	shalt  }
0x6b: {  	_ =	shalt  }
0x6c: {  	_ =	shalt  }
0x6d: {  	_ =	shalt  }
0x6e: {  	_ =	shalt  }
0x6f: {  	_ =	shalt  }
0x70: {  	_ =	shalt  }
0x71: {  	_ =	shalt  }
0x72: {  	_ =	shalt  }
0x73: {  	_ =	shalt  }
0x74: {  	_ =	shalt  }
0x75: {  	_ =	shalt  }
0x76: {  	_ =	shalt  }
0x77: {  	_ =	shalt  }
0x78: {  	_ =	shalt  }
0x79: {  	_ =	shalt  }
0x7a: {  	_ =	shalt  }
0x7b: {  	_ =	shalt  }
0x7c: {  	_ =	shalt  }
0x7d: {  	_ =	shalt  }
0x7e: {  	_ =	shalt  }
0x7f: {  	_ =	shalt  }
0x80: {  	_ =	shalt  }
0x81: {  	_ =	shalt  }
0x82: {  	_ =	shalt  }
0x83: {  	_ =	shalt  }
0x84: {  	_ =	shalt  }
0x85: {  	_ =	shalt  }
0x86: {  	_ =	shalt  }
0x87: {  	_ =	shalt  }
.Lfunc_end0:
.L_simem_size_0:
called_computation_lowered:
.L_overlay_start_0:
0x88: {  	s0 =	sld [smem:$0x3FD9]  }
0x89: {  	s1 =	sld [smem:$0x3FFE];
	_ =	sdelay $0x3  }
0x8a: {  	s0 =	sadd.s32 s1, s0  }
0x8b: {  	[smem:$0x3FC6] =	sst s0  }
0x8c: {  	_ = 	snop  }
0x8d: {  	s0 =	sld [smem:$0x3FD0];
	(tm) =	ssettm $0x1  }
0x8e: {  	s16 =	sld [smem:$0x3FFB];
	_ =	sdelay $0x3  }
0x8f: {  	_ =	strace s16  }
0x90: {  	s1 =	sld [smem:$0x3FFC];
	_ =	sdelay $0x3  }
0x91: {  	_ =	strace s1  }
0x92: {  	s1 =	sld [smem:$0x3FFD];
	_ =	sdelay $0x3  }
0x93: {  	_ =	strace s1  }
0x94: {  	_ =	strace $0x8FFFFFFF  }
0x95: {  	s17 =	sld [smem:$0x3FDB];
	_ =	sdelay $0x1  }
0x96: {  	s2 =	simm.s32 $_scs_section_size  }
0x97: {  	s3 =	simm.s32 $_size__tile_overlayer_lowered;
	s4 =	simm.s32 $_tile_overlayer_lowered  }
0x98: {  	s20 =	simm.s32 $0x1BFF;
	s19 =	sshll.u32 s4, $0x1;
	s1 =	sadd.s32 s2, s17  }
0x99: {  	s5 =	simm.s32 $0x0;
	s18 =	sshll.u32 s3, $0x1;
	s3 =	sadd.s32 s19, s1  }
0x9a: {  	[timem:s5], [sflag:s20] =	dma.local [hbm:s3], s18  }
0x9b: {  	_ =	swait.ge [sflag:s20], s18  }
0x9c: {  	s2 =	ssub.s32 $0x0, s18;
	[sflag:s20] =	ssyncset.done $0x0  }
0x9d: {  	[sflag:s20] =	ssyncadd.s32 s2;
	_ =	sdelay $0x1  }
0x9e: {  	s21 =	simm.s32 $0x1B8B  }
0x9f: {  	_ =	swait.ge [sflag:s21], $0x1  }
0xa0: {  	[sflag:s21] =	ssyncset.done $0x0  }
0xa1: {  	s23 =	simm.s32 $0x1B8E;
	s22 =	sld [smem:$0x3FFE];
	[sflag:s21] =	ssyncadd.s32 $0xFFFFFFFF  }
0xa2: {  	s24 =	simm.s32 $execute0_lowered;
	[smem:$0x3FD2] =	sst s23  }
0xa3: {  	s3 =	sshll.u32 s24, $0x1;
	_ =	strace $0x80000046;
	[dreg:$0x1] =	wrdreg $0xFFFFFFFF  }
0xa4: {  	s25 =	simm.s32 $_size_execute0_lowered;
	s1 =	sadd.s32 s1, s3;
	[dreg:$0x0] =	wrdreg $0x0  }
0xa5: {  	s3 =	sshll.u32 s25, $0x1;
	[dreg:$0x2] =	wrdreg s1  }
0xa6: {  	[dreg:$0x3] =	wrdreg s3  }
0xa7: {  	[dreg:$0x4] =	wrdreg $0xC0  }
0xa8: {  	_ =	task [dreg:s5], $0x5FFFF  }
0xa9: {  	[dreg:$0x1] =	wrdreg $0xFFFFFFFF  }
0xaa: {  	[dreg:$0x0] =	wrdreg $0x60  }
0xab: {  	[dreg:$0x2] =	wrdreg s0  }
0xac: {  	[dreg:$0x3] =	wrdreg s22  }
0xad: {  	[dreg:$0x4] =	wrdreg $0x9  }
0xae: {  	_ =	task.clear_ibuf [dreg:s5], $0x5FFFF;
	_ =	strace $0x90000046  }
0xaf: {  	s26 =	simm.s32 $0x9;
	_ =	strace $0x80000048  }
0xb0: {  	_ =	swait.ge [sflag:s26], $0x1  }
0xb1: {  	[sflag:s26] =	ssyncadd.s32 $0xFFFFFFFF  }
0xb2: {  	_ =	strace $0x90000048  }
0xb3: {  	_ =	sfence  }
0xb4: {  	s28 =	sld [smem:$0x0];
	_ =	sdelay $0x1  }
0xb5: {  	s29 =	srdreg.scid  }
0xb6: {  	s30 =	sshll.u32 s29, $0xD;
	s31 =	sshrl.u32 s29, $0x2  }
0xb7: {  	s2 =	sand.u32 $0x4000, s30;
	s1 =	sand.u32 $0x1, s29;
	s0 =	sadd.s32 s31, s28  }
0xb8: {  	s1 =	sor.u32 s2, s1;
	s0 =	sshll.u32 s0, $0x11  }
0xb9: {  	s0 =	sor.u32 s0, s1  }
0xba: {  	s0 =	sadd.s32 $0x8F2B, s0  }
0xbb: {  	[sflag:s0] =	ssyncadd.remote.s32 $0x1  }
0xbc: {  	_ =	sfence.sel $0xFFFF  }
0xbd: {  	[dreg:$0x0] =	wrdreg $0xFFFFFFFF;
	(pc) =	sbr.abs _section_cstart, $3  }
0xbe: {  	[dreg:$0x1] =	wrdreg $0xFFFFFFFF  }
0xbf: {  	_ =	task.clear_ibuf [dreg:s5], $0x2FFFF;
	_ =	strace $0x9FFFFFFF  }
0xc0: {  	(tm) =	ssettm $0x7FFFFFFF  }
0xc1: {  	_ =	shalt  }
tec
execute0_lowered:
.L_overlay_start_1:
0x0: {  	(tag) =	ssettag $0x1  }
0x1: {  	s4 =	rddreg [dreg:$0x0];
	s1 =	stileid.u32  }
0x2: {  	s5 =	rddreg [dreg:$0x1];
	s2 =	sshrl.u32 s1, $0x3;
	s3 =	sshll.u32 s1, $0x7  }
0x3: {  	s0 =	rddreg [dreg:$0x2];
	s3 =	sand.u32 $0x380, s3;
	s7 =	sshll.u32 s2, $0xE  }
0x4: {  	s6 =	simm.s32 $0x0;
	s29 =	simm.s32 $0x80;
	s7 =	sor.u32 s3, s7  }
0x5: {  	s8 =	simm.s32 $0x400;
	[smem:$0x7FF] =	sst s6;
	s7 =	sshrl.u32 s7, $0x3  }
0x6: {  	s30 =	simm.s32 $0x1;
	_ =	strace $0x80000047;
	s4 =	sadd.s32 s4, s7  }
0x7: {  	[tilespmem:s6], [sflag:$0x1] =	stream.strided.gather [hbm4b:s4+s29], $0x800, s8, s29, $0x38;
	[tilespmem:$0x880] =	vst v63  }
0x8: {  	_ =	swait.ge [sflag:s30], $0x800  }
0x9: {  	[sflag:s30] =	ssyncset.done $0x0  }
0xa: {  	s31 =	simm.s32 $0x0;
	[sflag:s30] =	ssyncadd.s32 $0xFFFFF800  }
0xb: {  	v2 =	vld [tilespmem:s31+$0x0];
	_ =	sdelay $0x3  }
0xc: {  	v0 =	vimm.s32 $0x8000;
	v1 =	vlaneseq.u32;
	s4 =	sadd.s32 $0x800, s5;
	s5 =	sshll.u32 s1, $0xB;
	s6 =	simm.s32 $0x40  }
.LBB2_1:
0xd: {  	s7 =	sshra.s32 s6, $0x2;
	p0 =	sne.s32 s6, $0x1FC0;
	s6 =	sadd.s32 $0x40, s6;
	v3 =	vor.u32 s5, v1;
	vm0 =	veq.s32 v2, $0x66  }
.Ltmp0:
0xe: {  	v2 =	vld [tilespmem:s7+$0x0];
	v3 =	vnsel vm0, $0x8000, v3;
	(pc) =	sbr.rel @p0 .LBB2_1-.Ltmp0, $3  }
0xf: {  	vm0 =	vlt.s32 v0, v3  }
0x10: {  	v0 =	vsel vm0, v0, v3;
	_ =	sdelay $0x1  }
0x11: {  	s5 =	sadd.s32 $0x10, s5  }
0x12: {  	v1 =	vor.u32 s5, v1;
	vm0 =	veq.s32 v2, $0x66  }
0x13: {  	s2 =	sshll.u32 s2, $0xA;
	v1 =	vnsel vm0, $0x8000, v1  }
0x14: {  	s2 =	sor.u32 s3, s2;
	vm0 =	vlt.s32 v0, v1  }
0x15: {  	s29 =	simm.s32 $0x0;
	s2 =	sshrl.u32 s2, $0x3;
	v0 =	vsel vm0, v0, v1  }
0x16: {  	s30 =	simm.s32 $0x800;
	s31 =	simm.s32 $0x1;
	s2 =	sadd.s32 s4, s2;
	[tilespmem:$0x800] =	vst v0  }
0x17: {  	[hbm4b:s2+s29] =	stream.linear.scatter [tilespmem:s30], [sflag:$0x1], $0x80, $0x38;
	[tilespmem:$0x880] =	vst v63  }
0x18: {  	_ =	swait.ge [sflag:s31], $0x80  }
0x19: {  	[sflag:s31] =	ssyncset.done $0x0  }
0x1a: {  	[sflag:s31] =	ssyncadd.s32 $0xFFFFFF80  }
0x1b: {  	_ =	sfence.sel $0x180000  }
0x1c: {  	[bflag:$0x0] =	sbarrier.arrive $0xFFFF  }
0x1d: {  	p0 =	sne.s32 s1, $0x0;
	_ =	strace $0x90000047  }
0x1e: {  	s0 =	sadd.s32 @!p0 $0x100000, s0;
	[bflag:$0x2] =	sbarrier.arrive $0xFFFF  }
0x1f: {  	[sflag:s0] =	ssyncadd.tile.s32 @!p0 $0x1;
	_ =	shalt  }
.Lfunc_end2:
_tile_overlayer_lowered:
.L_overlay_start_2:
0x20: {  	(tag) =	ssettag $0x2  }
0x21: {  	s0 =	rddreg [dreg:$0x0];
	s2 =	stileid.u32  }
0x22: {  	s1 =	rddreg [dreg:$0x1];
	p0 =	sne.s32 s2, $0x0  }
0x23: {  	s3 =	rddreg [dreg:$0x2];
	[bflag:$0x3] =	sbarrier.arrive $0xFFFF;
	s2 =	simm.s32 @!p0 $0x1C01  }
0x24: {  	[timem:s3], [sflag:s2] =	dma.local @!p0 [hbm:s0], s1  }
0x25: {  	s0 =	simm.s32 @!p0 $0x1  }
0x26: {  	_ =	swait.ge @!p0 [sflag:s0], s1  }
0x27: {  	s1 =	ssub.s32 @!p0 $0x0, s1;
	[sflag:s0] =	ssyncset.done @!p0 $0x0  }
0x28: {  	[sflag:s0] =	ssyncadd.s32 @!p0 s1  }
0x29: {  	[bflag:$0x3] =	sbarrier.arrive $0xFFFF  }
0x2a: {  	_ =	shalt  }

</sc_bundles>
